<compile_context>
chip_gen: v7x
topology: tpu7x:2x2x1
jax: 0.10.2.dev20260603
libtpu: 0.0.44.dev20260713+nightly
codegen_flags: <defaults>
</compile_context>

<pallas_src>
import jax
import jax.numpy as jnp
from jax import lax
from jax.experimental import pallas as pl
from jax.experimental.pallas import tpu as pltpu

_NCLS = 19
_S = _NCLS + 1
_C = 64
_H = 128
_W = 128
_P = _H * _W
_RB = 32
_NRB = _H // _RB


def _pool_one(x, seg_r, fcwp_ref, fcbt_ref):
    f32 = jnp.float32
    iota_sr = lax.broadcasted_iota(jnp.int32, (_S, _P), 0)
    oh = (seg_r == iota_sr - 1).astype(f32)
    sums = lax.dot_general(x, oh, (((1,), (1,)), ((), ())),
                           preferred_element_type=f32)
    ones_row = jnp.ones((1, _P), f32)
    area = lax.dot_general(ones_row, oh, (((1,), (1,)), ((), ())),
                           preferred_element_type=f32)
    mu = jnp.where(area > 0.0, sums / jnp.maximum(area, 1.0), 0.0)
    glob = jnp.sum(sums, axis=1, keepdims=True) * (1.0 / _P)

    fcwp_flat = fcwp_ref[...].reshape(_C * _S, _C)
    prod = lax.dot_general(fcwp_flat, mu, (((1,), (0,)), ((), ())),
                           preferred_element_type=f32)
    prod3 = prod.reshape(_C, _S, _S)
    sel = (lax.broadcasted_iota(jnp.int32, (_C, _S, _S), 1) ==
           lax.broadcasted_iota(jnp.int32, (_C, _S, _S), 2))
    fc_lin = jnp.sum(jnp.where(sel, prod3, 0.0), axis=2) + fcbt_ref[...]
    fc_out = jnp.maximum(fc_lin, 0.0)

    fc0 = jnp.maximum(
        lax.dot_general(fcwp_ref[:, 0, :], glob, (((1,), (0,)), ((), ())),
                        preferred_element_type=f32) + fcbt_ref[:, 0:1], 0.0)

    present = jnp.sum(mu, axis=0, keepdims=True)
    sidx = lax.broadcasted_iota(jnp.int32, (1, _S), 1)
    use_fc = jnp.logical_and(sidx != 0, present != 0.0)
    return jnp.where(use_fc, fc_out, fc0)


def _pool_body(featA_ref, featB_ref, segA_ref, segB_ref, fcwp_ref, fcbt_ref,
               vec_ref):
    vec_ref[0, 0] = _pool_one(featA_ref[0], segA_ref[0], fcwp_ref, fcbt_ref)
    vec_ref[1, 0] = _pool_one(featB_ref[0], segB_ref[0], fcwp_ref, fcbt_ref)


def _conv_body(segA_ref, segB_ref, vec_ref, wt_ref, bias_ref, out_ref,
               fpad_ref):
    f32 = jnp.float32
    pid0 = pl.program_id(0)
    pid1 = pl.program_id(1)
    rb = pl.program_id(2)

    @pl.when(jnp.logical_and(jnp.logical_and(pid0 == 0, pid1 == 0), rb == 0))
    def _zero():
        fpad_ref[...] = jnp.zeros((_H + 2, _W + 2, _C), f32)

    @pl.when(rb == 0)
    def _build_f():
        seg_c = jnp.where(pid0 % 2 == 0, segA_ref[0], segB_ref[0])
        iota_sr = lax.broadcasted_iota(jnp.int32, (_S, _P), 0)
        oh_t = (seg_c == iota_sr - 1).astype(f32)
        oh = jnp.transpose(oh_t)
        f = lax.dot_general(oh, vec_ref[0, 0], (((1,), (1,)), ((), ())),
                            preferred_element_type=f32)
        fpad_ref[1:_H + 1, 1:_W + 1, :] = f.reshape(_H, _W, _C)

    acc = None
    for t in range(9):
        ky, kx = divmod(t, 3)
        xs = fpad_ref[pl.ds(rb * _RB + ky, _RB), kx:kx + _W, :]
        xs = xs.reshape(_RB * _W, _C)
        m = lax.dot_general(xs, wt_ref[t], (((1,), (0,)), ((), ())),
                            preferred_element_type=f32)
        acc = m if acc is None else acc + m
    res = jnp.transpose(jnp.maximum(acc + bias_ref[...], 0.0))
    out_ref[0, 0, 0] = res[:_C]
    out_ref[1, 0, 0] = res[_C:]


def _src_idx(p):
    return p % 2


def _tgt_idx(p):
    return (p % 2 + p // 2) % 2


def kernel(feature_A, feature_B, segmap_A, segmap_B, fc_w, fc_b,
           gamma_w, gamma_b, beta_w, beta_b):
    b = feature_A.shape[0]
    fA = feature_A.reshape(b, _C, _P)
    fB = feature_B.reshape(b, _C, _P)
    sA = segmap_A.astype(jnp.int32).reshape(b, 1, _P)
    sB = segmap_B.astype(jnp.int32).reshape(b, 1, _P)
    fcwp = jnp.transpose(fc_w, (1, 0, 2))
    fcbt = jnp.transpose(fc_b)

    vecs = pl.pallas_call(
        _pool_body,
        grid=(b,),
        in_specs=[
            pl.BlockSpec((1, _C, _P), lambda i: (i, 0, 0)),
            pl.BlockSpec((1, _C, _P), lambda i: (i, 0, 0)),
            pl.BlockSpec((1, 1, _P), lambda i: (i, 0, 0)),
            pl.BlockSpec((1, 1, _P), lambda i: (i, 0, 0)),
            pl.BlockSpec((_C, _S, _C), lambda i: (0, 0, 0)),
            pl.BlockSpec((_C, _S), lambda i: (0, 0)),
        ],
        out_specs=pl.BlockSpec((2, 1, _C, _S), lambda i: (0, i, 0, 0)),
        out_shape=jax.ShapeDtypeStruct((2, b, _C, _S), jnp.float32),
    )(fA, fB, sA, sB, fcwp, fcbt)

    w2 = jnp.concatenate([gamma_w, beta_w], axis=0)
    wt = jnp.transpose(w2, (2, 3, 1, 0)).reshape(9, _C, 2 * _C)
    bias2 = jnp.concatenate([gamma_b, beta_b])[None, :]

    out = pl.pallas_call(
        _conv_body,
        grid=(4, b, _NRB),
        in_specs=[
            pl.BlockSpec((1, 1, _P), lambda p, i, r: (i, 0, 0)),
            pl.BlockSpec((1, 1, _P), lambda p, i, r: (i, 0, 0)),
            pl.BlockSpec((1, 1, _C, _S), lambda p, i, r: (_tgt_idx(p), i, 0, 0)),
            pl.BlockSpec((9, _C, 2 * _C), lambda p, i, r: (0, 0, 0)),
            pl.BlockSpec((1, 2 * _C), lambda p, i, r: (0, 0)),
        ],
        out_specs=pl.BlockSpec((2, 1, 1, _C, _RB * _W),
                               lambda p, i, r: (0, p, i, 0, r)),
        out_shape=jax.ShapeDtypeStruct((2, 4, b, _C, _P), jnp.float32),
        scratch_shapes=[pltpu.VMEM((_H + 2, _W + 2, _C), jnp.float32)],
    )(sA, sB, vecs, wt, bias2)

    return out.reshape(8, b, _C, _H, _W)

# --- scband reference (transcript-rebuilt; emitter-appended) ---
"""Pipeline reference for scband-style-encoder-27848567947819 (READ-ONLY COPY).

The authoritative reference and input builder live on the scoring server;
editing this copy changes nothing except your own understanding.
"""

import jax, jax.numpy as jnp
import numpy as np

N_CLASS = 19
CHANNEL = 64
DATASETS = ["A", "B"]
CONVERTS = ["A2B", "B2A"]


def _conv3x3_relu(x, w, b):
    y = jax.lax.conv_general_dilated(x, w, window_strides=(1, 1), padding='SAME',
                                     dimension_numbers=('NCHW', 'OIHW', 'NCHW'))
    return jax.nn.relu(y + b[None, :, None, None])


def _region_wise_pooling(codes, seg_oh):
    # codes [b,c,h,w], seg_oh [b,s,h,w] (one-hot, disjoint masks)
    area = seg_oh.sum(axis=(2, 3))                      # [b,s]
    summed = jnp.einsum('bchw,bshw->bsc', codes, seg_oh)
    mean = summed / jnp.maximum(area[..., None], 1.0)
    return jnp.where(area[..., None] > 0, mean, 0.0)    # [b,s,c]


def _broadcasting(seg_oh, style_code, fc_w, fc_b):
    # seg_oh [b,s,h,w]; style_code [b,s+1,c] (last row = global pooled vector)
    s = seg_oh.shape[1]
    mu = style_code[:, :s, :]                                            # [b,s,c]
    # FC[j] applied to style_code[:, j]  (Linear: x @ W.T + b, then ReLU)
    fc_out = jax.nn.relu(jnp.einsum('bsc,sdc->bsd', mu, fc_w) + fc_b[None, :, :])
    glob = style_code[:, -1, :]                                          # [b,c]
    fc0 = jax.nn.relu(glob @ fc_w[0].T + fc_b[0])                        # FC[0](global)
    use_fc = (jnp.arange(s)[None, :] != 0) & (jnp.sum(mu, axis=-1) != 0) # [b,s]
    vec = jnp.where(use_fc[..., None], fc_out, fc0[:, None, :])          # [b,s,c]
    # masked scatter: each pixel belongs to exactly one class mask -> scatter-broadcast
    return jnp.einsum('bshw,bsc->bchw', seg_oh, vec)


def setup_inputs(seed: int = 0):
    key = jax.random.key(seed)
    ks = jax.random.split(key, 10)
    b, c, h, w = 4, CHANNEL, 128, 128
    inp = {}
    inp['feature_A'] = jax.random.normal(ks[0], (b, c, h, w), dtype=jnp.float32)
    inp['feature_B'] = jax.random.normal(ks[1], (b, c, h, w), dtype=jnp.float32)
    inp['segmap_A'] = jax.random.randint(ks[2], (b, h, w), 0, N_CLASS)
    inp['segmap_B'] = jax.random.randint(ks[3], (b, h, w), 0, N_CLASS)
    # per-class FC stack: (n_class+1) x Linear(channel, channel)
    inp['fc_w'] = jax.random.normal(ks[4], (N_CLASS + 1, c, c), dtype=jnp.float32) * 0.05
    inp['fc_b'] = jax.random.normal(ks[5], (N_CLASS + 1, c), dtype=jnp.float32) * 0.05
    inp['gamma_w'] = jax.random.normal(ks[6], (c, c, 3, 3), dtype=jnp.float32) * 0.05
    inp['gamma_b'] = jax.random.normal(ks[7], (c,), dtype=jnp.float32) * 0.05
    inp['beta_w'] = jax.random.normal(ks[8], (c, c, 3, 3), dtype=jnp.float32) * 0.05
    inp['beta_b'] = jax.random.normal(ks[9], (c,), dtype=jnp.float32) * 0.05
    return inp


def reference(feature_A, feature_B, segmap_A, segmap_B, fc_w, fc_b, gamma_w, gamma_b, beta_w, beta_b):
    features = {'A': feature_A, 'B': feature_B}
    segmaps = {'A': segmap_A, 'B': segmap_B}
    seg_oh, mat = {}, {}
    gam, bet = {}, {}
    for d in DATASETS:
        oh = jax.nn.one_hot(segmaps[d] + 1, N_CLASS + 1, dtype=jnp.float32)  # [b,h,w,s]
        oh = jnp.transpose(oh, (0, 3, 1, 2))                                 # [b,s,h,w]
        # F.interpolate(..., size=(h,w), mode='nearest') is identity here (same resolution)
        seg_oh[d] = oh
        rpmat = _region_wise_pooling(features[d], oh)                        # [b,s,c]
        gpmat = features[d].mean(axis=(2, 3))[:, None, :]                    # [b,1,c]
        mat[d] = jnp.concatenate([rpmat, gpmat], axis=1)                     # [b,s+1,c]
        f = _broadcasting(oh, mat[d], fc_w, fc_b)
        gam[d] = _conv3x3_relu(f, gamma_w, gamma_b)
        bet[d] = _conv3x3_relu(f, beta_w, beta_b)
    for cv in CONVERTS:
        src, tgt = cv.split('2')
        f = _broadcasting(seg_oh[src], mat[tgt], fc_w, fc_b)
        gam[cv] = _conv3x3_relu(f, gamma_w, gamma_b)
        bet[cv] = _conv3x3_relu(f, beta_w, beta_b)
    keys = DATASETS + CONVERTS
    return jnp.stack([gam[k] for k in keys] + [bet[k] for k in keys], axis=0)

if __name__ == "__main__":
    import jax
    _d = setup_inputs()
    print(jax.jit(kernel)(*tuple(_d.values())))

</pallas_src>

<mosaic_0001>
module attributes {stable_mosaic.version = 14 : i64} {
  func.func @_pool_body(%arg0: i32, %arg1: memref<1x64x16384xf32, #tpu.memory_space<vmem>>, %arg2: memref<1x64x16384xf32, #tpu.memory_space<vmem>>, %arg3: memref<1x1x16384xi32, #tpu.memory_space<vmem>>, %arg4: memref<1x1x16384xi32, #tpu.memory_space<vmem>>, %arg5: memref<64x20x64xf32, #tpu.memory_space<vmem>>, %arg6: memref<64x20xf32, #tpu.memory_space<vmem>>, %arg7: memref<2x1x64x20xf32, #tpu.memory_space<vmem>>) attributes {dimension_semantics = [#tpu.dimension_semantics<arbitrary>], iteration_bounds = array<i64: 4>, scalar_prefetch = 0 : i64, scratch_operands = 0 : i64, tpu.core_type = #tpu.core_type<tc>, window_params = [{transform_indices = @transform_0, window_bounds = array<i64: 1, 64, 16384>}, {transform_indices = @transform_1, window_bounds = array<i64: 1, 64, 16384>}, {transform_indices = @transform_2, window_bounds = array<i64: 1, 1, 16384>}, {transform_indices = @transform_3, window_bounds = array<i64: 1, 1, 16384>}, {pipeline_mode = #tpu.pipeline_mode<synchronous>, transform_indices = @transform_4, window_bounds = array<i64: 64, 20, 64>}, {pipeline_mode = #tpu.pipeline_mode<synchronous>, transform_indices = @transform_5, window_bounds = array<i64: 64, 20>}, {transform_indices = @transform_6, window_bounds = array<i64: 2, 1, 64, 20>}]} {
    %get3A = arith.constant 0 : index
    %get3A_0 = arith.constant 0 : index
    %get3A_1 = arith.constant 0 : index
    %get3A_2 = vector.load %arg1[%get3A, %get3A_0, %get3A_1] : memref<1x64x16384xf32, #tpu.memory_space<vmem>>, vector<1x64x16384xf32>
    %get3A_3 = vector.shape_cast %get3A_2 : vector<1x64x16384xf32> to vector<64x16384xf32>
    %get3A_4 = arith.constant 0 : index
    %get3A_5 = arith.constant 0 : index
    %get3A_6 = arith.constant 0 : index
    %get3A_7 = vector.load %arg3[%get3A_4, %get3A_5, %get3A_6] : memref<1x1x16384xi32, #tpu.memory_space<vmem>>, vector<1x1x16384xi32>
    %get3A_8 = vector.shape_cast %get3A_7 : vector<1x1x16384xi32> to vector<1x16384xi32>
    %iota3A = tpu.iota {dimensions = array<i32: 0>} : vector<20x16384xi32>
    %sub3A = arith.constant 1 : i32
    %sub3A_9 = vector.broadcast %sub3A : i32 to vector<20x16384xi32>
    %sub3A_10 = arith.subi %iota3A, %sub3A_9 : vector<20x16384xi32>
    %eq3A = vector.broadcast %get3A_8 : vector<1x16384xi32> to vector<20x16384xi32>
    %eq3A_11 = arith.cmpi eq, %eq3A, %sub3A_10 : vector<20x16384xi32>
    %convert_element_type3A = arith.extui %eq3A_11 : vector<20x16384xi1> to vector<20x16384xi32>
    %convert_element_type3A_12 = arith.sitofp %convert_element_type3A : vector<20x16384xi32> to vector<20x16384xf32>
    %dot_general3A = arith.constant dense<0.000000e+00> : vector<64x20xf32>
    %dot_general3A_13 = tpu.matmul %get3A_3, %convert_element_type3A_12, %dot_general3A {dimension_numbers = #tpu.dot_dimension_numbers<[1], [1], [0], [0], [0, 0, 1, 0], [], []>, transpose_lhs_hint = false} : vector<64x16384xf32>, vector<20x16384xf32>, vector<64x20xf32> -> vector<64x20xf32>
    %broadcast_in_dim3A = arith.constant 1.000000e+00 : f32
    %broadcast_in_dim3A_14 = vector.broadcast %broadcast_in_dim3A : f32 to vector<1x16384xf32>
    %dot_general3A_15 = arith.constant dense<0.000000e+00> : vector<1x20xf32>
    %dot_general3A_16 = tpu.matmul %broadcast_in_dim3A_14, %convert_element_type3A_12, %dot_general3A_15 {dimension_numbers = #tpu.dot_dimension_numbers<[1], [1], [0], [0], [0, 0, 1, 0], [], []>, transpose_lhs_hint = false} : vector<1x16384xf32>, vector<20x16384xf32>, vector<1x20xf32> -> vector<1x20xf32>
    %gt3A = arith.constant 0.000000e+00 : f32
    %gt3A_17 = vector.broadcast %gt3A : f32 to vector<1x20xf32>
    %gt3A_18 = arith.cmpf ogt, %dot_general3A_16, %gt3A_17 : vector<1x20xf32>
    %max3A = arith.constant 1.000000e+00 : f32
    %max3A_19 = vector.broadcast %max3A : f32 to vector<1x20xf32>
    %max3A_20 = arith.maximumf %dot_general3A_16, %max3A_19 : vector<1x20xf32>
    %div3A = vector.broadcast %max3A_20 : vector<1x20xf32> to vector<64x20xf32>
    %div3A_21 = arith.divf %dot_general3A_13, %div3A : vector<64x20xf32>
    %jit3A = arith.constant 0.000000e+00 : f32
    %broadcast_in_dim3A_22 = vector.shape_cast %gt3A_18 : vector<1x20xi1> to vector<1x20xi1>
    %broadcast_in_dim3A_23 = vector.broadcast %broadcast_in_dim3A_22 : vector<1x20xi1> to vector<64x20xi1>
    %broadcast_in_dim3A_24 = vector.broadcast %jit3A : f32 to vector<64x20xf32>
    %select_n3A = arith.select %broadcast_in_dim3A_23, %div3A_21, %broadcast_in_dim3A_24 : vector<64x20xi1>, vector<64x20xf32>
    %reduce_sum3A = arith.constant dense<0.000000e+00> : vector<64xf32>
    %reduce_sum3A_25 = vector.multi_reduction <add>, %dot_general3A_13, %reduce_sum3A [1] : vector<64x20xf32> to vector<64xf32>
    %broadcast_in_dim3A_26 = vector.shape_cast %reduce_sum3A_25 : vector<64xf32> to vector<64x1xf32>
    %mul3A = arith.constant 6.10351563E-5 : f32
    %mul3A_27 = vector.broadcast %mul3A : f32 to vector<64x1xf32>
    %mul3A_28 = arith.mulf %broadcast_in_dim3A_26, %mul3A_27 : vector<64x1xf32>
    %get3A_29 = arith.constant 0 : index
    %get3A_30 = arith.constant 0 : index
    %get3A_31 = arith.constant 0 : index
    %get3A_32 = vector.load %arg5[%get3A_29, %get3A_30, %get3A_31] : memref<64x20x64xf32, #tpu.memory_space<vmem>>, vector<64x20x64xf32>
    %reshape3A = vector.shape_cast %get3A_32 : vector<64x20x64xf32> to vector<1280x64xf32>
    %dot_general3A_33 = arith.constant dense<0.000000e+00> : vector<1280x20xf32>
    %dot_general3A_34 = tpu.matmul %reshape3A, %select_n3A, %dot_general3A_33 {dimension_numbers = #tpu.dot_dimension_numbers<[1], [0], [0], [1], [0, 0, 1, 1], [], []>, transpose_lhs_hint = false} : vector<1280x64xf32>, vector<64x20xf32>, vector<1280x20xf32> -> vector<1280x20xf32>
    %reshape3A_35 = vector.shape_cast %dot_general3A_34 : vector<1280x20xf32> to vector<64x20x20xf32>
    %iota3A_36 = tpu.iota {dimensions = array<i32: 1>} : vector<64x20x20xi32>
    %iota3A_37 = tpu.iota {dimensions = array<i32: 2>} : vector<64x20x20xi32>
    %eq3A_38 = arith.cmpi eq, %iota3A_36, %iota3A_37 : vector<64x20x20xi32>
    %jit3A_39 = arith.constant 0.000000e+00 : f32
    %broadcast_in_dim3A_40 = vector.broadcast %jit3A_39 : f32 to vector<64x20x20xf32>
    %select_n3A_41 = arith.select %eq3A_38, %reshape3A_35, %broadcast_in_dim3A_40 : vector<64x20x20xi1>, vector<64x20x20xf32>
    %reduce_sum3A_42 = arith.constant dense<0.000000e+00> : vector<64x20xf32>
    %reduce_sum3A_43 = vector.multi_reduction <add>, %select_n3A_41, %reduce_sum3A_42 [2] : vector<64x20x20xf32> to vector<64x20xf32>
    %get3A_44 = arith.constant 0 : index
    %get3A_45 = arith.constant 0 : index
    %get3A_46 = vector.load %arg6[%get3A_44, %get3A_45] : memref<64x20xf32, #tpu.memory_space<vmem>>, vector<64x20xf32>
    %add3A = arith.addf %reduce_sum3A_43, %get3A_46 : vector<64x20xf32>
    %max3A_47 = arith.constant 0.000000e+00 : f32
    %max3A_48 = vector.broadcast %max3A_47 : f32 to vector<64x20xf32>
    %max3A_49 = arith.maximumf %add3A, %max3A_48 : vector<64x20xf32>
    %get3A_50 = arith.constant 0 : index
    %get3A_51 = arith.constant 0 : index
    %get3A_52 = arith.constant 0 : index
    %get3A_53 = vector.load %arg5[%get3A_50, %get3A_51, %get3A_52] : memref<64x20x64xf32, #tpu.memory_space<vmem>>, vector<64x1x64xf32>
    %get3A_54 = vector.shape_cast %get3A_53 : vector<64x1x64xf32> to vector<64x64xf32>
    %dot_general3A_55 = arith.constant dense<0.000000e+00> : vector<64x1xf32>
    %dot_general3A_56 = tpu.matmul %get3A_54, %mul3A_28, %dot_general3A_55 {dimension_numbers = #tpu.dot_dimension_numbers<[1], [0], [0], [1], [0, 0, 1, 1], [], []>, transpose_lhs_hint = false} : vector<64x64xf32>, vector<64x1xf32>, vector<64x1xf32> -> vector<64x1xf32>
    %get3A_57 = arith.constant 0 : index
    %get3A_58 = arith.constant 0 : index
    %get3A_59 = vector.load %arg6[%get3A_57, %get3A_58] : memref<64x20xf32, #tpu.memory_space<vmem>>, vector<64x1xf32>
    %add3A_60 = arith.addf %dot_general3A_56, %get3A_59 : vector<64x1xf32>
    %max3A_61 = arith.constant 0.000000e+00 : f32
    %max3A_62 = vector.broadcast %max3A_61 : f32 to vector<64x1xf32>
    %max3A_63 = arith.maximumf %add3A_60, %max3A_62 : vector<64x1xf32>
    %reduce_sum3A_64 = arith.constant dense<0.000000e+00> : vector<20xf32>
    %reduce_sum3A_65 = vector.multi_reduction <add>, %select_n3A, %reduce_sum3A_64 [0] : vector<64x20xf32> to vector<20xf32>
    %broadcast_in_dim3A_66 = vector.shape_cast %reduce_sum3A_65 : vector<20xf32> to vector<1x20xf32>
    %iota3A_67 = tpu.iota {dimensions = array<i32: 1>} : vector<1x20xi32>
    %ne3A = arith.constant 0 : i32
    %ne3A_68 = vector.broadcast %ne3A : i32 to vector<1x20xi32>
    %ne3A_69 = arith.cmpi ne, %iota3A_67, %ne3A_68 : vector<1x20xi32>
    %ne3A_70 = arith.constant 0.000000e+00 : f32
    %ne3A_71 = vector.broadcast %ne3A_70 : f32 to vector<1x20xf32>
    %ne3A_72 = arith.cmpf one, %broadcast_in_dim3A_66, %ne3A_71 : vector<1x20xf32>
    %and3A = arith.andi %ne3A_69, %ne3A_72 : vector<1x20xi1>
    %broadcast_in_dim3A_73 = vector.shape_cast %and3A : vector<1x20xi1> to vector<1x20xi1>
    %broadcast_in_dim3A_74 = vector.broadcast %broadcast_in_dim3A_73 : vector<1x20xi1> to vector<64x20xi1>
    %broadcast_in_dim3A_75 = vector.shape_cast %max3A_63 : vector<64x1xf32> to vector<64x1xf32>
    %broadcast_in_dim3A_76 = vector.broadcast %broadcast_in_dim3A_75 : vector<64x1xf32> to vector<64x20xf32>
    %select_n3A_77 = arith.select %broadcast_in_dim3A_74, %max3A_49, %broadcast_in_dim3A_76 : vector<64x20xi1>, vector<64x20xf32>
    %swap3A = arith.constant 0 : index
    %swap3A_78 = arith.constant 0 : index
    %swap3A_79 = arith.constant 0 : index
    %swap3A_80 = arith.constant 0 : index
    %swap3A_81 = vector.load %arg7[%swap3A, %swap3A_78, %swap3A_79, %swap3A_80] : memref<2x1x64x20xf32, #tpu.memory_space<vmem>>, vector<1x1x64x20xf32>
    %swap3A_82 = vector.shape_cast %swap3A_81 : vector<1x1x64x20xf32> to vector<64x20xf32>
    %swap3A_83 = vector.shape_cast %select_n3A_77 : vector<64x20xf32> to vector<1x1x64x20xf32>
    tpu.vector_store %arg7[%swap3A, %swap3A_78, %swap3A_79, %swap3A_80], %swap3A_83 {strides = array<i32>} : memref<2x1x64x20xf32, #tpu.memory_space<vmem>>, vector<1x1x64x20xf32>,
    %get3A_84 = arith.constant 0 : index
    %get3A_85 = arith.constant 0 : index
    %get3A_86 = arith.constant 0 : index
    %get3A_87 = vector.load %arg2[%get3A_84, %get3A_85, %get3A_86] : memref<1x64x16384xf32, #tpu.memory_space<vmem>>, vector<1x64x16384xf32>
    %get3A_88 = vector.shape_cast %get3A_87 : vector<1x64x16384xf32> to vector<64x16384xf32>
    %get3A_89 = arith.constant 0 : index
    %get3A_90 = arith.constant 0 : index
    %get3A_91 = arith.constant 0 : index
    %get3A_92 = vector.load %arg4[%get3A_89, %get3A_90, %get3A_91] : memref<1x1x16384xi32, #tpu.memory_space<vmem>>, vector<1x1x16384xi32>
    %get3A_93 = vector.shape_cast %get3A_92 : vector<1x1x16384xi32> to vector<1x16384xi32>
    %iota3A_94 = tpu.iota {dimensions = array<i32: 0>} : vector<20x16384xi32>
    %sub3A_95 = arith.constant 1 : i32
    %sub3A_96 = vector.broadcast %sub3A_95 : i32 to vector<20x16384xi32>
    %sub3A_97 = arith.subi %iota3A_94, %sub3A_96 : vector<20x16384xi32>
    %eq3A_98 = vector.broadcast %get3A_93 : vector<1x16384xi32> to vector<20x16384xi32>
    %eq3A_99 = arith.cmpi eq, %eq3A_98, %sub3A_97 : vector<20x16384xi32>
    %convert_element_type3A_100 = arith.extui %eq3A_99 : vector<20x16384xi1> to vector<20x16384xi32>
    %convert_element_type3A_101 = arith.sitofp %convert_element_type3A_100 : vector<20x16384xi32> to vector<20x16384xf32>
    %dot_general3A_102 = arith.constant dense<0.000000e+00> : vector<64x20xf32>
    %dot_general3A_103 = tpu.matmul %get3A_88, %convert_element_type3A_101, %dot_general3A_102 {dimension_numbers = #tpu.dot_dimension_numbers<[1], [1], [0], [0], [0, 0, 1, 0], [], []>, transpose_lhs_hint = false} : vector<64x16384xf32>, vector<20x16384xf32>, vector<64x20xf32> -> vector<64x20xf32>
    %broadcast_in_dim3A_104 = arith.constant 1.000000e+00 : f32
    %broadcast_in_dim3A_105 = vector.broadcast %broadcast_in_dim3A_104 : f32 to vector<1x16384xf32>
    %dot_general3A_106 = arith.constant dense<0.000000e+00> : vector<1x20xf32>
    %dot_general3A_107 = tpu.matmul %broadcast_in_dim3A_105, %convert_element_type3A_101, %dot_general3A_106 {dimension_numbers = #tpu.dot_dimension_numbers<[1], [1], [0], [0], [0, 0, 1, 0], [], []>, transpose_lhs_hint = false} : vector<1x16384xf32>, vector<20x16384xf32>, vector<1x20xf32> -> vector<1x20xf32>
    %gt3A_108 = arith.constant 0.000000e+00 : f32
    %gt3A_109 = vector.broadcast %gt3A_108 : f32 to vector<1x20xf32>
    %gt3A_110 = arith.cmpf ogt, %dot_general3A_107, %gt3A_109 : vector<1x20xf32>
    %max3A_111 = arith.constant 1.000000e+00 : f32
    %max3A_112 = vector.broadcast %max3A_111 : f32 to vector<1x20xf32>
    %max3A_113 = arith.maximumf %dot_general3A_107, %max3A_112 : vector<1x20xf32>
    %div3A_114 = vector.broadcast %max3A_113 : vector<1x20xf32> to vector<64x20xf32>
    %div3A_115 = arith.divf %dot_general3A_103, %div3A_114 : vector<64x20xf32>
    %jit3A_116 = arith.constant 0.000000e+00 : f32
    %broadcast_in_dim3A_117 = vector.shape_cast %gt3A_110 : vector<1x20xi1> to vector<1x20xi1>
    %broadcast_in_dim3A_118 = vector.broadcast %broadcast_in_dim3A_117 : vector<1x20xi1> to vector<64x20xi1>
    %broadcast_in_dim3A_119 = vector.broadcast %jit3A_116 : f32 to vector<64x20xf32>
    %select_n3A_120 = arith.select %broadcast_in_dim3A_118, %div3A_115, %broadcast_in_dim3A_119 : vector<64x20xi1>, vector<64x20xf32>
    %reduce_sum3A_121 = arith.constant dense<0.000000e+00> : vector<64xf32>
    %reduce_sum3A_122 = vector.multi_reduction <add>, %dot_general3A_103, %reduce_sum3A_121 [1] : vector<64x20xf32> to vector<64xf32>
    %broadcast_in_dim3A_123 = vector.shape_cast %reduce_sum3A_122 : vector<64xf32> to vector<64x1xf32>
    %mul3A_124 = arith.constant 6.10351563E-5 : f32
    %mul3A_125 = vector.broadcast %mul3A_124 : f32 to vector<64x1xf32>
    %mul3A_126 = arith.mulf %broadcast_in_dim3A_123, %mul3A_125 : vector<64x1xf32>
    %get3A_127 = arith.constant 0 : index
    %get3A_128 = arith.constant 0 : index
    %get3A_129 = arith.constant 0 : index
    %get3A_130 = vector.load %arg5[%get3A_127, %get3A_128, %get3A_129] : memref<64x20x64xf32, #tpu.memory_space<vmem>>, vector<64x20x64xf32>
    %reshape3A_131 = vector.shape_cast %get3A_130 : vector<64x20x64xf32> to vector<1280x64xf32>
    %dot_general3A_132 = arith.constant dense<0.000000e+00> : vector<1280x20xf32>
    %dot_general3A_133 = tpu.matmul %reshape3A_131, %select_n3A_120, %dot_general3A_132 {dimension_numbers = #tpu.dot_dimension_numbers<[1], [0], [0], [1], [0, 0, 1, 1], [], []>, transpose_lhs_hint = false} : vector<1280x64xf32>, vector<64x20xf32>, vector<1280x20xf32> -> vector<1280x20xf32>
    %reshape3A_134 = vector.shape_cast %dot_general3A_133 : vector<1280x20xf32> to vector<64x20x20xf32>
    %iota3A_135 = tpu.iota {dimensions = array<i32: 1>} : vector<64x20x20xi32>
    %iota3A_136 = tpu.iota {dimensions = array<i32: 2>} : vector<64x20x20xi32>
    %eq3A_137 = arith.cmpi eq, %iota3A_135, %iota3A_136 : vector<64x20x20xi32>
    %jit3A_138 = arith.constant 0.000000e+00 : f32
    %broadcast_in_dim3A_139 = vector.broadcast %jit3A_138 : f32 to vector<64x20x20xf32>
    %select_n3A_140 = arith.select %eq3A_137, %reshape3A_134, %broadcast_in_dim3A_139 : vector<64x20x20xi1>, vector<64x20x20xf32>
    %reduce_sum3A_141 = arith.constant dense<0.000000e+00> : vector<64x20xf32>
    %reduce_sum3A_142 = vector.multi_reduction <add>, %select_n3A_140, %reduce_sum3A_141 [2] : vector<64x20x20xf32> to vector<64x20xf32>
    %get3A_143 = arith.constant 0 : index
    %get3A_144 = arith.constant 0 : index
    %get3A_145 = vector.load %arg6[%get3A_143, %get3A_144] : memref<64x20xf32, #tpu.memory_space<vmem>>, vector<64x20xf32>
    %add3A_146 = arith.addf %reduce_sum3A_142, %get3A_145 : vector<64x20xf32>
    %max3A_147 = arith.constant 0.000000e+00 : f32
    %max3A_148 = vector.broadcast %max3A_147 : f32 to vector<64x20xf32>
    %max3A_149 = arith.maximumf %add3A_146, %max3A_148 : vector<64x20xf32>
    %get3A_150 = arith.constant 0 : index
    %get3A_151 = arith.constant 0 : index
    %get3A_152 = arith.constant 0 : index
    %get3A_153 = vector.load %arg5[%get3A_150, %get3A_151, %get3A_152] : memref<64x20x64xf32, #tpu.memory_space<vmem>>, vector<64x1x64xf32>
    %get3A_154 = vector.shape_cast %get3A_153 : vector<64x1x64xf32> to vector<64x64xf32>
    %dot_general3A_155 = arith.constant dense<0.000000e+00> : vector<64x1xf32>
    %dot_general3A_156 = tpu.matmul %get3A_154, %mul3A_126, %dot_general3A_155 {dimension_numbers = #tpu.dot_dimension_numbers<[1], [0], [0], [1], [0, 0, 1, 1], [], []>, transpose_lhs_hint = false} : vector<64x64xf32>, vector<64x1xf32>, vector<64x1xf32> -> vector<64x1xf32>
    %get3A_157 = arith.constant 0 : index
    %get3A_158 = arith.constant 0 : index
    %get3A_159 = vector.load %arg6[%get3A_157, %get3A_158] : memref<64x20xf32, #tpu.memory_space<vmem>>, vector<64x1xf32>
    %add3A_160 = arith.addf %dot_general3A_156, %get3A_159 : vector<64x1xf32>
    %max3A_161 = arith.constant 0.000000e+00 : f32
    %max3A_162 = vector.broadcast %max3A_161 : f32 to vector<64x1xf32>
    %max3A_163 = arith.maximumf %add3A_160, %max3A_162 : vector<64x1xf32>
    %reduce_sum3A_164 = arith.constant dense<0.000000e+00> : vector<20xf32>
    %reduce_sum3A_165 = vector.multi_reduction <add>, %select_n3A_120, %reduce_sum3A_164 [0] : vector<64x20xf32> to vector<20xf32>
    %broadcast_in_dim3A_166 = vector.shape_cast %reduce_sum3A_165 : vector<20xf32> to vector<1x20xf32>
    %iota3A_167 = tpu.iota {dimensions = array<i32: 1>} : vector<1x20xi32>
    %ne3A_168 = arith.constant 0 : i32
    %ne3A_169 = vector.broadcast %ne3A_168 : i32 to vector<1x20xi32>
    %ne3A_170 = arith.cmpi ne, %iota3A_167, %ne3A_169 : vector<1x20xi32>
    %ne3A_171 = arith.constant 0.000000e+00 : f32
    %ne3A_172 = vector.broadcast %ne3A_171 : f32 to vector<1x20xf32>
    %ne3A_173 = arith.cmpf one, %broadcast_in_dim3A_166, %ne3A_172 : vector<1x20xf32>
    %and3A_174 = arith.andi %ne3A_170, %ne3A_173 : vector<1x20xi1>
    %broadcast_in_dim3A_175 = vector.shape_cast %and3A_174 : vector<1x20xi1> to vector<1x20xi1>
    %broadcast_in_dim3A_176 = vector.broadcast %broadcast_in_dim3A_175 : vector<1x20xi1> to vector<64x20xi1>
    %broadcast_in_dim3A_177 = vector.shape_cast %max3A_163 : vector<64x1xf32> to vector<64x1xf32>
    %broadcast_in_dim3A_178 = vector.broadcast %broadcast_in_dim3A_177 : vector<64x1xf32> to vector<64x20xf32>
    %select_n3A_179 = arith.select %broadcast_in_dim3A_176, %max3A_149, %broadcast_in_dim3A_178 : vector<64x20xi1>, vector<64x20xf32>
    %swap3A_180 = arith.constant 1 : index
    %swap3A_181 = arith.constant 0 : index
    %swap3A_182 = arith.constant 0 : index
    %swap3A_183 = arith.constant 0 : index
    %swap3A_184 = vector.load %arg7[%swap3A_180, %swap3A_181, %swap3A_182, %swap3A_183] : memref<2x1x64x20xf32, #tpu.memory_space<vmem>>, vector<1x1x64x20xf32>
    %swap3A_185 = vector.shape_cast %swap3A_184 : vector<1x1x64x20xf32> to vector<64x20xf32>
    %swap3A_186 = vector.shape_cast %select_n3A_179 : vector<64x20xf32> to vector<1x1x64x20xf32>
    tpu.vector_store %arg7[%swap3A_180, %swap3A_181, %swap3A_182, %swap3A_183], %swap3A_186 {strides = array<i32>} : memref<2x1x64x20xf32, #tpu.memory_space<vmem>>, vector<1x1x64x20xf32>,
    return
  }
  func.func @transform_0(%arg0: i32) -> (i32, i32, i32) {
    %c0_i32 = arith.constant 0 : i32
    %c0_i32_0 = arith.constant 0 : i32
    %c0_i32_1 = arith.constant 0 : i32
    return %arg0, %c0_i32, %c0_i32_0 : i32, i32, i32
  }
  func.func @transform_1(%arg0: i32) -> (i32, i32, i32) {
    %c0_i32 = arith.constant 0 : i32
    %c0_i32_0 = arith.constant 0 : i32
    %c0_i32_1 = arith.constant 0 : i32
    return %arg0, %c0_i32, %c0_i32_0 : i32, i32, i32
  }
  func.func @transform_2(%arg0: i32) -> (i32, i32, i32) {
    %c0_i32 = arith.constant 0 : i32
    %c0_i32_0 = arith.constant 0 : i32
    %c0_i32_1 = arith.constant 0 : i32
    return %arg0, %c0_i32, %c0_i32_0 : i32, i32, i32
  }
  func.func @transform_3(%arg0: i32) -> (i32, i32, i32) {
    %c0_i32 = arith.constant 0 : i32
    %c0_i32_0 = arith.constant 0 : i32
    %c0_i32_1 = arith.constant 0 : i32
    return %arg0, %c0_i32, %c0_i32_0 : i32, i32, i32
  }
  func.func @transform_4(%arg0: i32) -> (i32, i32, i32) {
    %c0_i32 = arith.constant 0 : i32
    %c0_i32_0 = arith.constant 0 : i32
    %c0_i32_1 = arith.constant 0 : i32
    %c0_i32_2 = arith.constant 0 : i32
    return %c0_i32, %c0_i32_0, %c0_i32_1 : i32, i32, i32
  }
  func.func @transform_5(%arg0: i32) -> (i32, i32) {
    %c0_i32 = arith.constant 0 : i32
    %c0_i32_0 = arith.constant 0 : i32
    %c0_i32_1 = arith.constant 0 : i32
    return %c0_i32, %c0_i32_0 : i32, i32
  }
  func.func @transform_6(%arg0: i32) -> (i32, i32, i32, i32) {
    %c0_i32 = arith.constant 0 : i32
    %c0_i32_0 = arith.constant 0 : i32
    %c0_i32_1 = arith.constant 0 : i32
    %c0_i32_2 = arith.constant 0 : i32
    return %c0_i32, %arg0, %c0_i32_0, %c0_i32_1 : i32, i32, i32, i32
  }
}

module attributes {stable_mosaic.version = 14 : i64} {
  func.func @_conv_body(%arg0: i32, %arg1: i32, %arg2: i32, %arg3: memref<1x1x16384xi32, #tpu.memory_space<vmem>>, %arg4: memref<1x1x16384xi32, #tpu.memory_space<vmem>>, %arg5: memref<1x1x64x20xf32, #tpu.memory_space<vmem>>, %arg6: memref<9x64x128xf32, #tpu.memory_space<vmem>>, %arg7: memref<1x128xf32, #tpu.memory_space<vmem>>, %arg8: memref<2x1x1x64x4096xf32, #tpu.memory_space<vmem>>, %arg9: memref<130x130x64xf32, #tpu.memory_space<vmem>>) attributes {dimension_semantics = [#tpu.dimension_semantics<arbitrary>, #tpu.dimension_semantics<arbitrary>, #tpu.dimension_semantics<arbitrary>], iteration_bounds = array<i64: 4, 4, 4>, scalar_prefetch = 0 : i64, scratch_operands = 1 : i64, tpu.core_type = #tpu.core_type<tc>, window_params = [{transform_indices = @transform_0, window_bounds = array<i64: 1, 1, 16384>}, {transform_indices = @transform_1, window_bounds = array<i64: 1, 1, 16384>}, {transform_indices = @transform_2, window_bounds = array<i64: 1, 1, 64, 20>}, {pipeline_mode = #tpu.pipeline_mode<synchronous>, transform_indices = @transform_3, window_bounds = array<i64: 9, 64, 128>}, {pipeline_mode = #tpu.pipeline_mode<synchronous>, transform_indices = @transform_4, window_bounds = array<i64: 1, 128>}, {transform_indices = @transform_5, window_bounds = array<i64: 2, 1, 1, 64, 4096>}]} {
    %eq3A = arith.constant 0 : i32
    %eq3A_0 = arith.cmpi eq, %arg0, %eq3A : i32
    %eq3A_1 = arith.constant 0 : i32
    %eq3A_2 = arith.cmpi eq, %arg1, %eq3A_1 : i32
    %and3A = arith.andi %eq3A_0, %eq3A_2 : i1
    %eq3A_3 = arith.constant 0 : i32
    %eq3A_4 = arith.cmpi eq, %arg2, %eq3A_3 : i32
    %and3A_5 = arith.andi %and3A, %eq3A_4 : i1
    %convert_element_type3A = arith.extui %and3A_5 : i1 to i32
    %cond3A = arith.constant 0 : i32
    %cond3A_6 = arith.cmpi ne, %convert_element_type3A, %cond3A : i32
    scf.if %cond3A_6 {
      %broadcast_in_dim3A = arith.constant 0.000000e+00 : f32
      %broadcast_in_dim3A_182 = vector.broadcast %broadcast_in_dim3A : f32 to vector<130x130x64xf32>
      %swap3A_183 = arith.constant 0 : index
      %swap3A_184 = arith.constant 0 : index
      %swap3A_185 = arith.constant 0 : index
      %swap3A_186 = vector.load %arg9[%swap3A_183, %swap3A_184, %swap3A_185] : memref<130x130x64xf32, #tpu.memory_space<vmem>>, vector<130x130x64xf32>
      tpu.vector_store %arg9[%swap3A_183, %swap3A_184, %swap3A_185], %broadcast_in_dim3A_182 {strides = array<i32>} : memref<130x130x64xf32, #tpu.memory_space<vmem>>, vector<130x130x64xf32>,
    } else {
    }
    %eq3A_7 = arith.constant 0 : i32
    %eq3A_8 = arith.cmpi eq, %arg2, %eq3A_7 : i32
    %convert_element_type3A_9 = arith.extui %eq3A_8 : i1 to i32
    %cond3A_10 = arith.constant 0 : i32
    %cond3A_11 = arith.cmpi ne, %convert_element_type3A_9, %cond3A_10 : i32
    scf.if %cond3A_11 {
      %jit3A = arith.constant 2 : i32
      %eq3A_182 = arith.constant 0 : i32
      %eq3A_183 = arith.cmpi eq, %jit3A, %eq3A_182 : i32
      %jit3A_184 = arith.constant 1 : i32
      %select_n3A = arith.select %eq3A_183, %jit3A_184, %jit3A : i32
      %rem3A = arith.remsi %arg0, %select_n3A : i32
      %ne3A = arith.constant 0 : i32
      %ne3A_185 = arith.cmpi ne, %rem3A, %ne3A : i32
      %lt3A = arith.constant 0 : i32
      %lt3A_186 = arith.cmpi slt, %rem3A, %lt3A : i32
      %lt3A_187 = arith.constant 0 : i32
      %lt3A_188 = arith.cmpi slt, %select_n3A, %lt3A_187 : i32
      %ne3A_189 = arith.xori %lt3A_186, %lt3A_188 : i1
      %and3A_190 = arith.andi %ne3A_189, %ne3A_185 : i1
      %add3A_191 = arith.addi %rem3A, %select_n3A : i32
      %select_n3A_192 = arith.select %and3A_190, %add3A_191, %rem3A : i32
      %eq3A_193 = arith.constant 0 : i32
      %eq3A_194 = arith.cmpi eq, %select_n3A_192, %eq3A_193 : i32
      %get3A_195 = arith.constant 0 : index
      %get3A_196 = arith.constant 0 : index
      %get3A_197 = arith.constant 0 : index
      %get3A_198 = vector.load %arg3[%get3A_195, %get3A_196, %get3A_197] : memref<1x1x16384xi32, #tpu.memory_space<vmem>>, vector<1x1x16384xi32>
      %get3A_199 = vector.shape_cast %get3A_198 : vector<1x1x16384xi32> to vector<1x16384xi32>
      %get3A_200 = arith.constant 0 : index
      %get3A_201 = arith.constant 0 : index
      %get3A_202 = arith.constant 0 : index
      %get3A_203 = vector.load %arg4[%get3A_200, %get3A_201, %get3A_202] : memref<1x1x16384xi32, #tpu.memory_space<vmem>>, vector<1x1x16384xi32>
      %get3A_204 = vector.shape_cast %get3A_203 : vector<1x1x16384xi32> to vector<1x16384xi32>
      %select_n3A_205 = arith.select %eq3A_194, %get3A_199, %get3A_204 : vector<1x16384xi32>
      %iota3A = tpu.iota {dimensions = array<i32: 0>} : vector<20x16384xi32>
      %sub3A = arith.constant 1 : i32
      %sub3A_206 = vector.broadcast %sub3A : i32 to vector<20x16384xi32>
      %sub3A_207 = arith.subi %iota3A, %sub3A_206 : vector<20x16384xi32>
      %eq3A_208 = vector.broadcast %select_n3A_205 : vector<1x16384xi32> to vector<20x16384xi32>
      %eq3A_209 = arith.cmpi eq, %eq3A_208, %sub3A_207 : vector<20x16384xi32>
      %convert_element_type3A_210 = arith.extui %eq3A_209 : vector<20x16384xi1> to vector<20x16384xi32>
      %convert_element_type3A_211 = arith.sitofp %convert_element_type3A_210 : vector<20x16384xi32> to vector<20x16384xf32>
      %transpose3A_212 = tpu.transpose %convert_element_type3A_211, [1, 0] : vector<20x16384xf32> -> vector<16384x20xf32>
      %get3A_213 = arith.constant 0 : index
      %get3A_214 = arith.constant 0 : index
      %get3A_215 = arith.constant 0 : index
      %get3A_216 = arith.constant 0 : index
      %get3A_217 = vector.load %arg5[%get3A_213, %get3A_214, %get3A_215, %get3A_216] : memref<1x1x64x20xf32, #tpu.memory_space<vmem>>, vector<1x1x64x20xf32>
      %get3A_218 = vector.shape_cast %get3A_217 : vector<1x1x64x20xf32> to vector<64x20xf32>
      %dot_general3A_219 = arith.constant dense<0.000000e+00> : vector<16384x64xf32>
      %dot_general3A_220 = tpu.matmul %transpose3A_212, %get3A_218, %dot_general3A_219 {dimension_numbers = #tpu.dot_dimension_numbers<[1], [1], [0], [0], [0, 0, 1, 0], [], []>, transpose_lhs_hint = false} : vector<16384x20xf32>, vector<64x20xf32>, vector<16384x64xf32> -> vector<16384x64xf32>
      %reshape3A_221 = vector.shape_cast %dot_general3A_220 : vector<16384x64xf32> to vector<128x128x64xf32>
      %swap3A_222 = arith.constant 1 : index
      %swap3A_223 = arith.constant 1 : index
      %swap3A_224 = arith.constant 0 : index
      %swap3A_225 = vector.load %arg9[%swap3A_222, %swap3A_223, %swap3A_224] : memref<130x130x64xf32, #tpu.memory_space<vmem>>, vector<128x128x64xf32>
      tpu.vector_store %arg9[%swap3A_222, %swap3A_223, %swap3A_224], %reshape3A_221 {strides = array<i32>} : memref<130x130x64xf32, #tpu.memory_space<vmem>>, vector<128x128x64xf32>,
    } else {
    }
    %mul3A = arith.constant 32 : i32
    %mul3A_12 = arith.muli %arg2, %mul3A : i32
    %add3A = arith.constant 0 : i32
    %add3A_13 = arith.addi %mul3A_12, %add3A : i32
    %get3A = arith.index_cast %add3A_13 : i32 to index
    %get3A_14 = arith.constant 0 : index
    %get3A_15 = arith.constant 0 : index
    %get3A_16 = vector.load %arg9[%get3A, %get3A_14, %get3A_15] : memref<130x130x64xf32, #tpu.memory_space<vmem>>, vector<32x128x64xf32>
    %reshape3A = vector.shape_cast %get3A_16 : vector<32x128x64xf32> to vector<4096x64xf32>
    %get3A_17 = arith.constant 0 : index
    %get3A_18 = arith.constant 0 : index
    %get3A_19 = arith.constant 0 : index
    %get3A_20 = vector.load %arg6[%get3A_17, %get3A_18, %get3A_19] : memref<9x64x128xf32, #tpu.memory_space<vmem>>, vector<1x64x128xf32>
    %get3A_21 = vector.shape_cast %get3A_20 : vector<1x64x128xf32> to vector<64x128xf32>
    %dot_general3A = arith.constant dense<0.000000e+00> : vector<4096x128xf32>
    %dot_general3A_22 = tpu.matmul %reshape3A, %get3A_21, %dot_general3A {dimension_numbers = #tpu.dot_dimension_numbers<[1], [0], [0], [1], [0, 0, 1, 1], [], []>, transpose_lhs_hint = false} : vector<4096x64xf32>, vector<64x128xf32>, vector<4096x128xf32> -> vector<4096x128xf32>
    %mul3A_23 = arith.constant 32 : i32
    %mul3A_24 = arith.muli %arg2, %mul3A_23 : i32
    %add3A_25 = arith.constant 0 : i32
    %add3A_26 = arith.addi %mul3A_24, %add3A_25 : i32
    %get3A_27 = arith.index_cast %add3A_26 : i32 to index
    %get3A_28 = arith.constant 1 : index
    %get3A_29 = arith.constant 0 : index
    %get3A_30 = vector.load %arg9[%get3A_27, %get3A_28, %get3A_29] : memref<130x130x64xf32, #tpu.memory_space<vmem>>, vector<32x128x64xf32>
    %reshape3A_31 = vector.shape_cast %get3A_30 : vector<32x128x64xf32> to vector<4096x64xf32>
    %get3A_32 = arith.constant 1 : index
    %get3A_33 = arith.constant 0 : index
    %get3A_34 = arith.constant 0 : index
    %get3A_35 = vector.load %arg6[%get3A_32, %get3A_33, %get3A_34] : memref<9x64x128xf32, #tpu.memory_space<vmem>>, vector<1x64x128xf32>
    %get3A_36 = vector.shape_cast %get3A_35 : vector<1x64x128xf32> to vector<64x128xf32>
    %dot_general3A_37 = arith.constant dense<0.000000e+00> : vector<4096x128xf32>
    %dot_general3A_38 = tpu.matmul %reshape3A_31, %get3A_36, %dot_general3A_37 {dimension_numbers = #tpu.dot_dimension_numbers<[1], [0], [0], [1], [0, 0, 1, 1], [], []>, transpose_lhs_hint = false} : vector<4096x64xf32>, vector<64x128xf32>, vector<4096x128xf32> -> vector<4096x128xf32>
    %add3A_39 = arith.addf %dot_general3A_22, %dot_general3A_38 : vector<4096x128xf32>
    %mul3A_40 = arith.constant 32 : i32
    %mul3A_41 = arith.muli %arg2, %mul3A_40 : i32
    %add3A_42 = arith.constant 0 : i32
    %add3A_43 = arith.addi %mul3A_41, %add3A_42 : i32
    %get3A_44 = arith.index_cast %add3A_43 : i32 to index
    %get3A_45 = arith.constant 2 : index
    %get3A_46 = arith.constant 0 : index
    %get3A_47 = vector.load %arg9[%get3A_44, %get3A_45, %get3A_46] : memref<130x130x64xf32, #tpu.memory_space<vmem>>, vector<32x128x64xf32>
    %reshape3A_48 = vector.shape_cast %get3A_47 : vector<32x128x64xf32> to vector<4096x64xf32>
    %get3A_49 = arith.constant 2 : index
    %get3A_50 = arith.constant 0 : index
    %get3A_51 = arith.constant 0 : index
    %get3A_52 = vector.load %arg6[%get3A_49, %get3A_50, %get3A_51] : memref<9x64x128xf32, #tpu.memory_space<vmem>>, vector<1x64x128xf32>
    %get3A_53 = vector.shape_cast %get3A_52 : vector<1x64x128xf32> to vector<64x128xf32>
    %dot_general3A_54 = arith.constant dense<0.000000e+00> : vector<4096x128xf32>
    %dot_general3A_55 = tpu.matmul %reshape3A_48, %get3A_53, %dot_general3A_54 {dimension_numbers = #tpu.dot_dimension_numbers<[1], [0], [0], [1], [0, 0, 1, 1], [], []>, transpose_lhs_hint = false} : vector<4096x64xf32>, vector<64x128xf32>, vector<4096x128xf32> -> vector<4096x128xf32>
    %add3A_56 = arith.addf %add3A_39, %dot_general3A_55 : vector<4096x128xf32>
    %mul3A_57 = arith.constant 32 : i32
    %mul3A_58 = arith.muli %arg2, %mul3A_57 : i32
    %add3A_59 = arith.constant 1 : i32
    %add3A_60 = arith.addi %mul3A_58, %add3A_59 : i32
    %get3A_61 = arith.index_cast %add3A_60 : i32 to index
    %get3A_62 = arith.constant 0 : index
    %get3A_63 = arith.constant 0 : index
    %get3A_64 = vector.load %arg9[%get3A_61, %get3A_62, %get3A_63] : memref<130x130x64xf32, #tpu.memory_space<vmem>>, vector<32x128x64xf32>
    %reshape3A_65 = vector.shape_cast %get3A_64 : vector<32x128x64xf32> to vector<4096x64xf32>
    %get3A_66 = arith.constant 3 : index
    %get3A_67 = arith.constant 0 : index
    %get3A_68 = arith.constant 0 : index
    %get3A_69 = vector.load %arg6[%get3A_66, %get3A_67, %get3A_68] : memref<9x64x128xf32, #tpu.memory_space<vmem>>, vector<1x64x128xf32>
    %get3A_70 = vector.shape_cast %get3A_69 : vector<1x64x128xf32> to vector<64x128xf32>
    %dot_general3A_71 = arith.constant dense<0.000000e+00> : vector<4096x128xf32>
    %dot_general3A_72 = tpu.matmul %reshape3A_65, %get3A_70, %dot_general3A_71 {dimension_numbers = #tpu.dot_dimension_numbers<[1], [0], [0], [1], [0, 0, 1, 1], [], []>, transpose_lhs_hint = false} : vector<4096x64xf32>, vector<64x128xf32>, vector<4096x128xf32> -> vector<4096x128xf32>
    %add3A_73 = arith.addf %add3A_56, %dot_general3A_72 : vector<4096x128xf32>
    %mul3A_74 = arith.constant 32 : i32
    %mul3A_75 = arith.muli %arg2, %mul3A_74 : i32
    %add3A_76 = arith.constant 1 : i32
    %add3A_77 = arith.addi %mul3A_75, %add3A_76 : i32
    %get3A_78 = arith.index_cast %add3A_77 : i32 to index
    %get3A_79 = arith.constant 1 : index
    %get3A_80 = arith.constant 0 : index
    %get3A_81 = vector.load %arg9[%get3A_78, %get3A_79, %get3A_80] : memref<130x130x64xf32, #tpu.memory_space<vmem>>, vector<32x128x64xf32>
    %reshape3A_82 = vector.shape_cast %get3A_81 : vector<32x128x64xf32> to vector<4096x64xf32>
    %get3A_83 = arith.constant 4 : index
    %get3A_84 = arith.constant 0 : index
    %get3A_85 = arith.constant 0 : index
    %get3A_86 = vector.load %arg6[%get3A_83, %get3A_84, %get3A_85] : memref<9x64x128xf32, #tpu.memory_space<vmem>>, vector<1x64x128xf32>
    %get3A_87 = vector.shape_cast %get3A_86 : vector<1x64x128xf32> to vector<64x128xf32>
    %dot_general3A_88 = arith.constant dense<0.000000e+00> : vector<4096x128xf32>
    %dot_general3A_89 = tpu.matmul %reshape3A_82, %get3A_87, %dot_general3A_88 {dimension_numbers = #tpu.dot_dimension_numbers<[1], [0], [0], [1], [0, 0, 1, 1], [], []>, transpose_lhs_hint = false} : vector<4096x64xf32>, vector<64x128xf32>, vector<4096x128xf32> -> vector<4096x128xf32>
    %add3A_90 = arith.addf %add3A_73, %dot_general3A_89 : vector<4096x128xf32>
    %mul3A_91 = arith.constant 32 : i32
    %mul3A_92 = arith.muli %arg2, %mul3A_91 : i32
    %add3A_93 = arith.constant 1 : i32
    %add3A_94 = arith.addi %mul3A_92, %add3A_93 : i32
    %get3A_95 = arith.index_cast %add3A_94 : i32 to index
    %get3A_96 = arith.constant 2 : index
    %get3A_97 = arith.constant 0 : index
    %get3A_98 = vector.load %arg9[%get3A_95, %get3A_96, %get3A_97] : memref<130x130x64xf32, #tpu.memory_space<vmem>>, vector<32x128x64xf32>
    %reshape3A_99 = vector.shape_cast %get3A_98 : vector<32x128x64xf32> to vector<4096x64xf32>
    %get3A_100 = arith.constant 5 : index
    %get3A_101 = arith.constant 0 : index
    %get3A_102 = arith.constant 0 : index
    %get3A_103 = vector.load %arg6[%get3A_100, %get3A_101, %get3A_102] : memref<9x64x128xf32, #tpu.memory_space<vmem>>, vector<1x64x128xf32>
    %get3A_104 = vector.shape_cast %get3A_103 : vector<1x64x128xf32> to vector<64x128xf32>
    %dot_general3A_105 = arith.constant dense<0.000000e+00> : vector<4096x128xf32>
    %dot_general3A_106 = tpu.matmul %reshape3A_99, %get3A_104, %dot_general3A_105 {dimension_numbers = #tpu.dot_dimension_numbers<[1], [0], [0], [1], [0, 0, 1, 1], [], []>, transpose_lhs_hint = false} : vector<4096x64xf32>, vector<64x128xf32>, vector<4096x128xf32> -> vector<4096x128xf32>
    %add3A_107 = arith.addf %add3A_90, %dot_general3A_106 : vector<4096x128xf32>
    %mul3A_108 = arith.constant 32 : i32
    %mul3A_109 = arith.muli %arg2, %mul3A_108 : i32
    %add3A_110 = arith.constant 2 : i32
    %add3A_111 = arith.addi %mul3A_109, %add3A_110 : i32
    %get3A_112 = arith.index_cast %add3A_111 : i32 to index
    %get3A_113 = arith.constant 0 : index
    %get3A_114 = arith.constant 0 : index
    %get3A_115 = vector.load %arg9[%get3A_112, %get3A_113, %get3A_114] : memref<130x130x64xf32, #tpu.memory_space<vmem>>, vector<32x128x64xf32>
    %reshape3A_116 = vector.shape_cast %get3A_115 : vector<32x128x64xf32> to vector<4096x64xf32>
    %get3A_117 = arith.constant 6 : index
    %get3A_118 = arith.constant 0 : index
    %get3A_119 = arith.constant 0 : index
    %get3A_120 = vector.load %arg6[%get3A_117, %get3A_118, %get3A_119] : memref<9x64x128xf32, #tpu.memory_space<vmem>>, vector<1x64x128xf32>
    %get3A_121 = vector.shape_cast %get3A_120 : vector<1x64x128xf32> to vector<64x128xf32>
    %dot_general3A_122 = arith.constant dense<0.000000e+00> : vector<4096x128xf32>
    %dot_general3A_123 = tpu.matmul %reshape3A_116, %get3A_121, %dot_general3A_122 {dimension_numbers = #tpu.dot_dimension_numbers<[1], [0], [0], [1], [0, 0, 1, 1], [], []>, transpose_lhs_hint = false} : vector<4096x64xf32>, vector<64x128xf32>, vector<4096x128xf32> -> vector<4096x128xf32>
    %add3A_124 = arith.addf %add3A_107, %dot_general3A_123 : vector<4096x128xf32>
    %mul3A_125 = arith.constant 32 : i32
    %mul3A_126 = arith.muli %arg2, %mul3A_125 : i32
    %add3A_127 = arith.constant 2 : i32
    %add3A_128 = arith.addi %mul3A_126, %add3A_127 : i32
    %get3A_129 = arith.index_cast %add3A_128 : i32 to index
    %get3A_130 = arith.constant 1 : index
    %get3A_131 = arith.constant 0 : index
    %get3A_132 = vector.load %arg9[%get3A_129, %get3A_130, %get3A_131] : memref<130x130x64xf32, #tpu.memory_space<vmem>>, vector<32x128x64xf32>
    %reshape3A_133 = vector.shape_cast %get3A_132 : vector<32x128x64xf32> to vector<4096x64xf32>
    %get3A_134 = arith.constant 7 : index
    %get3A_135 = arith.constant 0 : index
    %get3A_136 = arith.constant 0 : index
    %get3A_137 = vector.load %arg6[%get3A_134, %get3A_135, %get3A_136] : memref<9x64x128xf32, #tpu.memory_space<vmem>>, vector<1x64x128xf32>
    %get3A_138 = vector.shape_cast %get3A_137 : vector<1x64x128xf32> to vector<64x128xf32>
    %dot_general3A_139 = arith.constant dense<0.000000e+00> : vector<4096x128xf32>
    %dot_general3A_140 = tpu.matmul %reshape3A_133, %get3A_138, %dot_general3A_139 {dimension_numbers = #tpu.dot_dimension_numbers<[1], [0], [0], [1], [0, 0, 1, 1], [], []>, transpose_lhs_hint = false} : vector<4096x64xf32>, vector<64x128xf32>, vector<4096x128xf32> -> vector<4096x128xf32>
    %add3A_141 = arith.addf %add3A_124, %dot_general3A_140 : vector<4096x128xf32>
    %mul3A_142 = arith.constant 32 : i32
    %mul3A_143 = arith.muli %arg2, %mul3A_142 : i32
    %add3A_144 = arith.constant 2 : i32
    %add3A_145 = arith.addi %mul3A_143, %add3A_144 : i32
    %get3A_146 = arith.index_cast %add3A_145 : i32 to index
    %get3A_147 = arith.constant 2 : index
    %get3A_148 = arith.constant 0 : index
    %get3A_149 = vector.load %arg9[%get3A_146, %get3A_147, %get3A_148] : memref<130x130x64xf32, #tpu.memory_space<vmem>>, vector<32x128x64xf32>
    %reshape3A_150 = vector.shape_cast %get3A_149 : vector<32x128x64xf32> to vector<4096x64xf32>
    %get3A_151 = arith.constant 8 : index
    %get3A_152 = arith.constant 0 : index
    %get3A_153 = arith.constant 0 : index
    %get3A_154 = vector.load %arg6[%get3A_151, %get3A_152, %get3A_153] : memref<9x64x128xf32, #tpu.memory_space<vmem>>, vector<1x64x128xf32>
    %get3A_155 = vector.shape_cast %get3A_154 : vector<1x64x128xf32> to vector<64x128xf32>
    %dot_general3A_156 = arith.constant dense<0.000000e+00> : vector<4096x128xf32>
    %dot_general3A_157 = tpu.matmul %reshape3A_150, %get3A_155, %dot_general3A_156 {dimension_numbers = #tpu.dot_dimension_numbers<[1], [0], [0], [1], [0, 0, 1, 1], [], []>, transpose_lhs_hint = false} : vector<4096x64xf32>, vector<64x128xf32>, vector<4096x128xf32> -> vector<4096x128xf32>
    %add3A_158 = arith.addf %add3A_141, %dot_general3A_157 : vector<4096x128xf32>
    %get3A_159 = arith.constant 0 : index
    %get3A_160 = arith.constant 0 : index
    %get3A_161 = vector.load %arg7[%get3A_159, %get3A_160] : memref<1x128xf32, #tpu.memory_space<vmem>>, vector<1x128xf32>
    %add3A_162 = vector.broadcast %get3A_161 : vector<1x128xf32> to vector<4096x128xf32>
    %add3A_163 = arith.addf %add3A_158, %add3A_162 : vector<4096x128xf32>
    %max3A = arith.constant 0.000000e+00 : f32
    %max3A_164 = vector.broadcast %max3A : f32 to vector<4096x128xf32>
    %max3A_165 = arith.maximumf %add3A_163, %max3A_164 : vector<4096x128xf32>
    %transpose3A = tpu.transpose %max3A_165, [1, 0] : vector<4096x128xf32> -> vector<128x4096xf32>
    %slice3A = vector.extract_strided_slice %transpose3A {offsets = [0, 0], sizes = [64, 4096], strides = [1, 1]} : vector<128x4096xf32> to vector<64x4096xf32>
    %swap3A = arith.constant 0 : index
    %swap3A_166 = arith.constant 0 : index
    %swap3A_167 = arith.constant 0 : index
    %swap3A_168 = arith.constant 0 : index
    %swap3A_169 = arith.constant 0 : index
    %swap3A_170 = vector.load %arg8[%swap3A, %swap3A_166, %swap3A_167, %swap3A_168, %swap3A_169] : memref<2x1x1x64x4096xf32, #tpu.memory_space<vmem>>, vector<1x1x1x64x4096xf32>
    %swap3A_171 = vector.shape_cast %swap3A_170 : vector<1x1x1x64x4096xf32> to vector<64x4096xf32>
    %swap3A_172 = vector.shape_cast %slice3A : vector<64x4096xf32> to vector<1x1x1x64x4096xf32>
    tpu.vector_store %arg8[%swap3A, %swap3A_166, %swap3A_167, %swap3A_168, %swap3A_169], %swap3A_172 {strides = array<i32>} : memref<2x1x1x64x4096xf32, #tpu.memory_space<vmem>>, vector<1x1x1x64x4096xf32>,
    %slice3A_173 = vector.extract_strided_slice %transpose3A {offsets = [64, 0], sizes = [64, 4096], strides = [1, 1]} : vector<128x4096xf32> to vector<64x4096xf32>
    %swap3A_174 = arith.constant 1 : index
    %swap3A_175 = arith.constant 0 : index
    %swap3A_176 = arith.constant 0 : index
    %swap3A_177 = arith.constant 0 : index
    %swap3A_178 = arith.constant 0 : index
    %swap3A_179 = vector.load %arg8[%swap3A_174, %swap3A_175, %swap3A_176, %swap3A_177, %swap3A_178] : memref<2x1x1x64x4096xf32, #tpu.memory_space<vmem>>, vector<1x1x1x64x4096xf32>
    %swap3A_180 = vector.shape_cast %swap3A_179 : vector<1x1x1x64x4096xf32> to vector<64x4096xf32>
    %swap3A_181 = vector.shape_cast %slice3A_173 : vector<64x4096xf32> to vector<1x1x1x64x4096xf32>
    tpu.vector_store %arg8[%swap3A_174, %swap3A_175, %swap3A_176, %swap3A_177, %swap3A_178], %swap3A_181 {strides = array<i32>} : memref<2x1x1x64x4096xf32, #tpu.memory_space<vmem>>, vector<1x1x1x64x4096xf32>,
    return
  }
  func.func @transform_0(%arg0: i32, %arg1: i32, %arg2: i32) -> (i32, i32, i32) {
    %c0_i32 = arith.constant 0 : i32
    %c0_i32_0 = arith.constant 0 : i32
    %c0_i32_1 = arith.constant 0 : i32
    return %arg1, %c0_i32, %c0_i32_0 : i32, i32, i32
  }
  func.func @transform_1(%arg0: i32, %arg1: i32, %arg2: i32) -> (i32, i32, i32) {
    %c0_i32 = arith.constant 0 : i32
    %c0_i32_0 = arith.constant 0 : i32
    %c0_i32_1 = arith.constant 0 : i32
    return %arg1, %c0_i32, %c0_i32_0 : i32, i32, i32
  }
  func.func @transform_2(%arg0: i32, %arg1: i32, %arg2: i32) -> (i32, i32, i32, i32) {
    %jit3A = arith.constant 2 : i32
    %eq3A = arith.constant 0 : i32
    %eq3A_0 = arith.cmpi eq, %jit3A, %eq3A : i32
    %jit3A_1 = arith.constant 1 : i32
    %select_n3A = arith.select %eq3A_0, %jit3A_1, %jit3A : i32
    %rem3A = arith.remsi %arg0, %select_n3A : i32
    %ne3A = arith.constant 0 : i32
    %ne3A_2 = arith.cmpi ne, %rem3A, %ne3A : i32
    %lt3A = arith.constant 0 : i32
    %lt3A_3 = arith.cmpi slt, %rem3A, %lt3A : i32
    %lt3A_4 = arith.constant 0 : i32
    %lt3A_5 = arith.cmpi slt, %select_n3A, %lt3A_4 : i32
    %ne3A_6 = arith.xori %lt3A_3, %lt3A_5 : i1
    %and3A = arith.andi %ne3A_6, %ne3A_2 : i1
    %add3A = arith.addi %rem3A, %select_n3A : i32
    %select_n3A_7 = arith.select %and3A, %add3A, %rem3A : i32
    %jit3A_8 = arith.constant 2 : i32
    %div3A = arith.divsi %arg0, %jit3A_8 : i32
    %sign3A = arith.constant 0 : i32
    %sign3A_9 = arith.cmpi sgt, %arg0, %sign3A : i32
    %sign3A_10 = arith.extui %sign3A_9 : i1 to i32
    %sign3A_11 = arith.constant 0 : i32
    %sign3A_12 = arith.cmpi slt, %arg0, %sign3A_11 : i32
    %sign3A_13 = arith.extui %sign3A_12 : i1 to i32
    %sign3A_14 = arith.subi %sign3A_10, %sign3A_13 : i32
    %sign3A_15 = arith.constant 0 : i32
    %sign3A_16 = arith.cmpi sgt, %jit3A_8, %sign3A_15 : i32
    %sign3A_17 = arith.extui %sign3A_16 : i1 to i32
    %sign3A_18 = arith.constant 0 : i32
    %sign3A_19 = arith.cmpi slt, %jit3A_8, %sign3A_18 : i32
    %sign3A_20 = arith.extui %sign3A_19 : i1 to i32
    %sign3A_21 = arith.subi %sign3A_17, %sign3A_20 : i32
    %ne3A_22 = arith.cmpi ne, %sign3A_14, %sign3A_21 : i32
    %rem3A_23 = arith.remsi %arg0, %jit3A_8 : i32
    %ne3A_24 = arith.constant 0 : i32
    %ne3A_25 = arith.cmpi ne, %rem3A_23, %ne3A_24 : i32
    %and3A_26 = arith.andi %ne3A_22, %ne3A_25 : i1
    %sub3A = arith.constant 1 : i32
    %sub3A_27 = arith.subi %div3A, %sub3A : i32
    %select_n3A_28 = arith.select %and3A_26, %sub3A_27, %div3A : i32
    %add3A_29 = arith.addi %select_n3A_7, %select_n3A_28 : i32
    %jit3A_30 = arith.constant 2 : i32
    %eq3A_31 = arith.constant 0 : i32
    %eq3A_32 = arith.cmpi eq, %jit3A_30, %eq3A_31 : i32
    %jit3A_33 = arith.constant 1 : i32
    %select_n3A_34 = arith.select %eq3A_32, %jit3A_33, %jit3A_30 : i32
    %rem3A_35 = arith.remsi %add3A_29, %select_n3A_34 : i32
    %ne3A_36 = arith.constant 0 : i32
    %ne3A_37 = arith.cmpi ne, %rem3A_35, %ne3A_36 : i32
    %lt3A_38 = arith.constant 0 : i32
    %lt3A_39 = arith.cmpi slt, %rem3A_35, %lt3A_38 : i32
    %lt3A_40 = arith.constant 0 : i32
    %lt3A_41 = arith.cmpi slt, %select_n3A_34, %lt3A_40 : i32
    %ne3A_42 = arith.xori %lt3A_39, %lt3A_41 : i1
    %and3A_43 = arith.andi %ne3A_42, %ne3A_37 : i1
    %add3A_44 = arith.addi %rem3A_35, %select_n3A_34 : i32
    %select_n3A_45 = arith.select %and3A_43, %add3A_44, %rem3A_35 : i32
    %c0_i32 = arith.constant 0 : i32
    %c0_i32_46 = arith.constant 0 : i32
    %c0_i32_47 = arith.constant 0 : i32
    return %select_n3A_45, %arg1, %c0_i32, %c0_i32_46 : i32, i32, i32, i32
  }
  func.func @transform_3(%arg0: i32, %arg1: i32, %arg2: i32) -> (i32, i32, i32) {
    %c0_i32 = arith.constant 0 : i32
    %c0_i32_0 = arith.constant 0 : i32
    %c0_i32_1 = arith.constant 0 : i32
    %c0_i32_2 = arith.constant 0 : i32
    return %c0_i32, %c0_i32_0, %c0_i32_1 : i32, i32, i32
  }
  func.func @transform_4(%arg0: i32, %arg1: i32, %arg2: i32) -> (i32, i32) {
    %c0_i32 = arith.constant 0 : i32
    %c0_i32_0 = arith.constant 0 : i32
    %c0_i32_1 = arith.constant 0 : i32
    return %c0_i32, %c0_i32_0 : i32, i32
  }
  func.func @transform_5(%arg0: i32, %arg1: i32, %arg2: i32) -> (i32, i32, i32, i32, i32) {
    %c0_i32 = arith.constant 0 : i32
    %c0_i32_0 = arith.constant 0 : i32
    %c0_i32_1 = arith.constant 0 : i32
    return %c0_i32, %arg0, %arg1, %c0_i32_0, %arg2 : i32, i32, i32, i32, i32
  }
}

</mosaic_0001>

<sc_bundles>
// kernel: sparse-core-data-format-call.cloned.1.call-start
scs
called_computation_lowered:
.L_overlay_start_0:
0x0: {  	s2 =	sld [smem:$0x3FD9]  }
0x1: {  	s3 =	sld [smem:$0x3FFE];
	_ =	sdelay $0x1  }
0x2: {  	s1 =	srdreg.scid  }
0x3: {  	s0 =	sand.u32 $0x1, s1  }
0x4: {  	s18 =	sshll.u32 s0, $0xA;
	s2 =	sadd.s32 s3, s2  }
0x5: {  	s2 =	sadd.s32 s2, s18  }
0x6: {  	[smem:$0x3FBE] =	sst s2  }
0x7: {  	_ = 	snop  }
0x8: {  	s2 =	sld [smem:$0x3FD0];
	(tm) =	ssettm $0x1  }
0x9: {  	s19 =	sld [smem:$0x3FFB];
	_ =	sdelay $0x3  }
0xa: {  	_ =	strace s19  }
0xb: {  	s3 =	sld [smem:$0x3FFC];
	_ =	sdelay $0x3  }
0xc: {  	_ =	strace s3  }
0xd: {  	s3 =	sld [smem:$0x3FFD];
	_ =	sdelay $0x3  }
0xe: {  	_ =	strace s3  }
0xf: {  	_ =	strace $0x8FFFFFFF  }
0x10: {  	s20 =	sld [smem:$0x3FDB];
	_ =	sdelay $0x1  }
0x11: {  	s4 =	simm.s32 $_scs_section_size  }
0x12: {  	s5 =	simm.s32 $_size__tile_overlayer_lowered;
	s6 =	simm.s32 $_tile_overlayer_lowered  }
0x13: {  	s23 =	simm.s32 $0x1BFF;
	s22 =	sshll.u32 s6, $0x1;
	s3 =	sadd.s32 s4, s20  }
0x14: {  	s7 =	simm.s32 $0x0;
	s21 =	sshll.u32 s5, $0x1;
	s5 =	sadd.s32 s22, s3  }
0x15: {  	[timem:s7], [sflag:s23] =	dma.local [hbm:s5], s21  }
0x16: {  	_ =	swait.ge [sflag:s23], s21  }
0x17: {  	s4 =	ssub.s32 $0x0, s21;
	[sflag:s23] =	ssyncset.done $0x0  }
0x18: {  	[sflag:s23] =	ssyncadd.s32 s4;
	_ =	sdelay $0x1  }
0x19: {  	s24 =	simm.s32 $0x1B8B  }
0x1a: {  	_ =	swait.ge [sflag:s24], $0x1  }
0x1b: {  	[sflag:s24] =	ssyncset.done $0x0  }
0x1c: {  	s26 =	simm.s32 $0x1B8E;
	s25 =	sld [smem:$0x3FFE];
	[sflag:s24] =	ssyncadd.s32 $0xFFFFFFFF  }
0x1d: {  	s27 =	simm.s32 $execute0_lowered;
	[smem:$0x3FD2] =	sst s26  }
0x1e: {  	s5 =	sshll.u32 s27, $0x1;
	_ =	strace $0x80000046;
	[dreg:$0x1] =	wrdreg $0xFFFFFFFF  }
0x1f: {  	s28 =	simm.s32 $_size_execute0_lowered;
	s3 =	sadd.s32 s3, s5;
	[dreg:$0x0] =	wrdreg $0x0  }
0x20: {  	s5 =	sshll.u32 s28, $0x1;
	[dreg:$0x2] =	wrdreg s3  }
0x21: {  	[dreg:$0x3] =	wrdreg s5  }
0x22: {  	[dreg:$0x4] =	wrdreg $0xC0  }
0x23: {  	_ =	task [dreg:s7], $0x5FFFF  }
0x24: {  	[dreg:$0x1] =	wrdreg $0xFFFFFFFF  }
0x25: {  	[dreg:$0x0] =	wrdreg $0x60  }
0x26: {  	[dreg:$0x2] =	wrdreg s25  }
0x27: {  	[dreg:$0x3] =	wrdreg s2  }
0x28: {  	[dreg:$0x4] =	wrdreg $0x9  }
0x29: {  	_ =	task.clear_ibuf [dreg:s7], $0x5FFFF;
	_ =	strace $0x90000046  }
0x2a: {  	s29 =	simm.s32 $0x9;
	_ =	strace $0x80000048  }
0x2b: {  	_ =	swait.ge [sflag:s29], $0x1  }
0x2c: {  	[sflag:s29] =	ssyncadd.s32 $0xFFFFFFFF  }
0x2d: {  	_ =	strace $0x90000048  }
0x2e: {  	_ =	sfence  }
0x2f: {  	s30 =	sld [smem:$0x0];
	_ =	sdelay $0x2  }
0x30: {  	s31 =	sshll.u32 s1, $0xD;
	s1 =	sshrl.u32 s1, $0x2  }
0x31: {  	s3 =	sand.u32 $0x4000, s31;
	s1 =	sadd.s32 s1, s30  }
0x32: {  	s0 =	sor.u32 s3, s0;
	s1 =	sshll.u32 s1, $0x11  }
0x33: {  	s0 =	sor.u32 s1, s0  }
0x34: {  	s0 =	sadd.s32 $0x8F2B, s0  }
0x35: {  	[sflag:s0] =	ssyncadd.remote.s32 $0x1  }
0x36: {  	_ =	sfence.sel $0xFFFF  }
0x37: {  	[dreg:$0x0] =	wrdreg $0xFFFFFFFF;
	(pc) =	sbr.abs _section_cstart, $3  }
0x38: {  	[dreg:$0x1] =	wrdreg $0xFFFFFFFF  }
0x39: {  	_ =	task.clear_ibuf [dreg:s7], $0x2FFFF;
	_ =	strace $0x9FFFFFFF  }
0x3a: {  	(tm) =	ssettm $0x7FFFFFFF  }
0x3b: {  	_ =	shalt  }
tec
execute0_lowered:
.L_overlay_start_1:
0x0: {  	(tag) =	ssettag $0x1  }
0x1: {  	s1 =	rddreg [dreg:$0x0]  }
0x2: {  	s2 =	rddreg [dreg:$0x1]  }
0x3: {  	s0 =	rddreg [dreg:$0x2];
	_ =	strace $0x80000047;
	s4 =	srdreg.scid  }
0x4: {  	s6 =	simm.s32 $0x2;
	s11 =	simm.s32 $0x0;
	p0 =	por $0x0, $0x0  }
.Ltmp0:
0x5: {  	s7 =	simm.s32 $0x4000;
	s12 =	simm.s32 $0x0;
	(pc) =	sbr.rel .LBB1_1-.Ltmp0, $4  }
0x6: {  	s9 =	simm.s32 $0x0;
	s3 =	sadd.s32 $0xC00, s1;
	s5 =	sshll.u32 s4, $0x4  }
0x7: {  	s1 =	stileid.u32;
	s4 =	simm.s32 $0x1;
	s5 =	sand.u32 $0x10, s5  }
0x8: {  	s8 =	simm.s32 $0x0;
	[sflag:s4] =	ssyncpa.u1 $0x0;
	s5 =	sor.u32 s1, s5  }
0x9: {  	[sflag:s6] =	ssyncpa.u1 $0x0;
	s6 =	simm.s32 $0x800;
	s10 =	smov.u32 s5  }
.LBB1_7:
0xa: {  	s13 =	sadd.s32 $0x10, s9  }
0xb: {  	s11 =	sadd.s32 $0x20, s10;
	s15 =	smov.u32 s10;
	p2 =	sgt.s32 s13, $0x7F  }
0xc: {  	p1 =	slt.u32 s8, $0x2;
	s15 =	smov.u32 @p2 s11  }
0xd: {  	s8 =	sadd.s32 $0x1, s8;
	s13 =	simm.s32 @p2 $0x0;
	p2 =	sgt.s32 s15, $0xFF  }
0xe: {  	s15 =	smov.u32 @p2 s5;
	p2 =	sne.s32 s8, $0x42  }
.Ltmp1:
0xf: {  	_ = 	snop;
	(pc) =	sbr.rel @!p2 .LBB1_8-.Ltmp1, $4  }
0x10: {  	s14 =	simm.s32 @!p1 $0x2  }
0x11: {  	s12 =	smov.u32 s10;
	_ =	swait.ge @!p1 [sflag:s14], $0x4000  }
0x12: {  	p0 =	por !p0, !p0;
	s11 =	smov.u32 s9;
	[sflag:s14] =	ssyncset.done @!p1 $0x0  }
0x13: {  	s9 =	smov.u32 s13;
	[sflag:s14] =	ssyncadd.s32 @!p1 $0xFFFFC000;
	s10 =	smov.u32 s15  }
.LBB1_1:
0x14: {  	p1 =	sgt.u32 s8, $0x3F  }
0x15: {  	s13 =	sxor.u32 @!p1 $0xFFFFFFFF, s8;
	s14 =	sshll.u32 @!p1 s10, $0xE  }
0x16: {  	s15 =	sshll.u32 @!p1 s9, $0x7;
	s13 =	sshll.u32 @!p1 s13, $0xE;
	s14 =	sadd.s32 @!p1 s3, s14  }
0x17: {  	s13 =	sand.u32 @!p1 $0x4000, s13;
	s14 =	sadd.s32 @!p1 s15, s14;
	s15 =	simm.s32 @!p1 $0x0  }
0x18: {  	[tilespmem:s13], [sflag:$0x1] =	stream.linear.gather @!p1 [hbm4b:s14+s15], $0x4000, $0x38;
	[tilespmem:$0x10000] =	vst v63  }
0x19: {  	p1 =	seq.s32 s8, $0x0  }
0x1a: {  	p2 =	seq.s32 @!p1 s8, $0x41  }
0x1b: {  	p1 =	por p1, p2  }
.Ltmp2:
0x1c: {  	_ = 	snop;
	(pc) =	sbr.rel @p1 .LBB1_7-.Ltmp2, $1  }
0x1d: {  	_ =	sdelay $0x3  }
0x1e: {  	s13 =	simm.s32 $0x1;
	_ =	swait.ge [sflag:s4], $0x4000;
	s16 =	sshll.u32 s8, $0xE  }
0x1f: {  	s13 =	simm.s32 @!p0 $0x0;
	[sflag:s4] =	ssyncset.done $0x0;
	s31 =	sand.u32 $0x4000, s16  }
0x20: {  	s16 =	simm.s32 $0x0;
	s14 =	sshll.u32 s13, $0xE;
	[sflag:s4] =	ssyncadd.s32 $0xFFFFC000  }
0x21: {  	s13 =	sor.u32 $0x8040, s14;
	s15 =	sor.u32 $0x40, s14;
	s14 =	sor.u32 $0x8000, s31  }
.LBB1_3:
0x22: {  	v0 =	vmov s15;
	_ =	sdelay $0x3  }
0x23: {  	s18 =	simm.s32 $0x0  }
0x24: {  	v6 =	vld.idx.msk [tilespmem:v0+s18+$0x30 ss:$0x1], $0xffff  }
0x25: {  	v7 =	vld.idx.msk [tilespmem:v0+s18+$0xFFFFFFC0 ss:$0x1], $0xffff  }
0x26: {  	v5 =	vld.idx.msk [tilespmem:v0+s18+$0xFFFFFFD0 ss:$0x1], $0xffff  }
0x27: {  	v4 =	vld.idx.msk [tilespmem:v0+s18+$0xFFFFFFE0 ss:$0x1], $0xffff  }
0x28: {  	v3 =	vld.idx.msk [tilespmem:v0+s18+$0xFFFFFFF0 ss:$0x1], $0xffff  }
0x29: {  	v1 =	vld.idx.msk [tilespmem:v0+s18+$0x0 ss:$0x1], $0xffff  }
0x2a: {  	v2 =	vld.idx.msk [tilespmem:v0+s18+$0x10 ss:$0x1], $0xffff;
	[tilespmem:s13+$0x30] =	vst v6  }
0x2b: {  	s17 =	simm.s32 $0x80;
	s19 =	simm.s32 $0x400;
	[tilespmem:s13+$0xFFFFFFC0] =	vst v7;
	v6 =	vld.idx.msk [tilespmem:v0+s18+$0x20 ss:$0x1], $0xffff;
	s18 =	smov.u32 s13  }
.LBB1_4:
0x2c: {  	p1 =	sne.s32 s19, $0xE00;
	v7 =	vld.idx.msk [tilespmem:v0+s17+$0x30 ss:$0x1], $0xffff;
	[tilespmem:s18+$0xFFFFFFD0] =	vst v5  }
0x2d: {  	v8 =	vld.idx.msk [tilespmem:v0+s17+$0xFFFFFFC0 ss:$0x1], $0xffff;
	[tilespmem:s18+$0xFFFFFFE0] =	vst v4  }
0x2e: {  	v5 =	vld.idx.msk [tilespmem:v0+s17+$0xFFFFFFD0 ss:$0x1], $0xffff;
	[tilespmem:s18+$0xFFFFFFF0] =	vst v3  }
.Ltmp3:
0x2f: {  	v4 =	vld.idx.msk [tilespmem:v0+s17+$0xFFFFFFE0 ss:$0x1], $0xffff;
	[tilespmem:s18+$0x0] =	vst v1;
	(pc) =	sbr.rel @p1 .LBB1_4-.Ltmp3, $4  }
0x30: {  	v3 =	vld.idx.msk [tilespmem:v0+s17+$0xFFFFFFF0 ss:$0x1], $0xffff;
	[tilespmem:s18+$0x10] =	vst v2  }
0x31: {  	v1 =	vld.idx.msk [tilespmem:v0+s17+$0x0 ss:$0x1], $0xffff;
	[tilespmem:s18+$0x20] =	vst v6;
	s18 =	sadd.s32 $0x800, s18  }
0x32: {  	v2 =	vld.idx.msk [tilespmem:v0+s17+$0x10 ss:$0x1], $0xffff;
	[tilespmem:s18+$0x30] =	vst v7  }
0x33: {  	[tilespmem:s18+$0xFFFFFFC0] =	vst v8;
	v6 =	vld.idx.msk [tilespmem:v0+s17+$0x20 ss:$0x1], $0xffff;
	s17 =	sshra.s32 s19, $0x2;
	s19 =	sadd.s32 $0x200, s19  }
0x34: {  	_ =	sdelay $0x2  }
0x35: {  	[tilespmem:s18+$0xFFFFFFD0] =	vst v5  }
0x36: {  	v56 =	vld.idx.msk [tilespmem:v0+s17+$0x30 ss:$0x1], $0xffff;
	[tilespmem:s18+$0xFFFFFFE0] =	vst v4  }
0x37: {  	v57 =	vld.idx.msk [tilespmem:v0+s17+$0xFFFFFFC0 ss:$0x1], $0xffff;
	[tilespmem:s18+$0xFFFFFFF0] =	vst v3  }
0x38: {  	v58 =	vld.idx.msk [tilespmem:v0+s17+$0xFFFFFFD0 ss:$0x1], $0xffff;
	[tilespmem:s18+$0x0] =	vst v1  }
0x39: {  	v59 =	vld.idx.msk [tilespmem:v0+s17+$0xFFFFFFE0 ss:$0x1], $0xffff;
	[tilespmem:s18+$0x10] =	vst v2  }
0x3a: {  	v60 =	vld.idx.msk [tilespmem:v0+s17+$0xFFFFFFF0 ss:$0x1], $0xffff;
	s31 =	sadd.s32 $0x800, s18;
	[tilespmem:s18+$0x20] =	vst v6  }
0x3b: {  	v61 =	vld.idx.msk [tilespmem:v0+s17+$0x0 ss:$0x1], $0xffff;
	[tilespmem:s31+$0x30] =	vst v56  }
0x3c: {  	v62 =	vld.idx.msk [tilespmem:v0+s17+$0x10 ss:$0x1], $0xffff;
	s16 =	sadd.s32 $0x1, s16;
	[tilespmem:s31+$0xFFFFFFC0] =	vst v57  }
0x3d: {  	v63 =	vld.idx.msk [tilespmem:v0+s17+$0x20 ss:$0x1], $0xffff;
	p1 =	sne.s32 s16, $0x10;
	[tilespmem:s31+$0xFFFFFFD0] =	vst v58  }
.Ltmp4:
0x3e: {  	[tilespmem:s31+$0xFFFFFFE0] =	vst v59;
	(pc) =	sbr.rel @p1 .LBB1_3-.Ltmp4, $4  }
0x3f: {  	[tilespmem:s31+$0xFFFFFFF0] =	vst v60  }
0x40: {  	[tilespmem:s31+$0x0] =	vst v61  }
0x41: {  	[tilespmem:s31+$0x10] =	vst v62  }
0x42: {  	s13 =	sadd.s32 $0x80, s13;
	s15 =	sadd.s32 $0x400, s15;
	[tilespmem:s31+$0x20] =	vst v63  }
.Ltmp5:
0x43: {  	(pc) =	sbr.rel .LBB1_7-.Ltmp5, $4  }
0x44: {  	s12 =	sshll.u32 s12, $0xE;
	s11 =	sshll.u32 s11, $0x4  }
0x45: {  	s11 =	sand.u32 $0x7F0, s11;
	s12 =	sadd.s32 s2, s12  }
0x46: {  	s11 =	sadd.s32 s11, s12  }
0x47: {  	[hbm4b:s11+s6] =	stream.strided.scatter [tilespmem:s14], [sflag:$0x2], $0x4000, s7, s6, $0x38;
	[tilespmem:$0x10000] =	vst v63  }
.LBB1_8:
0x48: {  	_ =	sfence.sel $0x180000  }
0x49: {  	s2 =	simm.s32 $0x1;
	[bflag:$0x0] =	sbarrier.arrive $0xFFFF  }
0x4a: {  	s31 =	simm.s32 $0x2;
	[sflag:s2] =	ssyncpa.u1 $0x1  }
0x4b: {  	[sflag:s31] =	ssyncpa.u1 $0x1  }
0x4c: {  	p0 =	sne.s32 s1, $0x0;
	_ =	strace $0x90000047  }
0x4d: {  	s0 =	sadd.s32 @!p0 $0x100000, s0;
	[bflag:$0x2] =	sbarrier.arrive $0xFFFF  }
0x4e: {  	[sflag:s0] =	ssyncadd.tile.s32 @!p0 $0x1;
	_ =	shalt  }
.Lfunc_end1:
_tile_overlayer_lowered:
.L_overlay_start_2:
0x4f: {  	(tag) =	ssettag $0x2  }
0x50: {  	s0 =	rddreg [dreg:$0x0];
	s2 =	stileid.u32  }
0x51: {  	s1 =	rddreg [dreg:$0x1];
	p0 =	sne.s32 s2, $0x0  }
0x52: {  	s3 =	rddreg [dreg:$0x2];
	[bflag:$0x3] =	sbarrier.arrive $0xFFFF;
	s2 =	simm.s32 @!p0 $0x1C01  }
0x53: {  	[timem:s3], [sflag:s2] =	dma.local @!p0 [hbm:s0], s1  }
0x54: {  	s0 =	simm.s32 @!p0 $0x1  }
0x55: {  	_ =	swait.ge @!p0 [sflag:s0], s1  }
0x56: {  	s1 =	ssub.s32 @!p0 $0x0, s1;
	[sflag:s0] =	ssyncset.done @!p0 $0x0  }
0x57: {  	[sflag:s0] =	ssyncadd.s32 @!p0 s1  }
0x58: {  	[bflag:$0x3] =	sbarrier.arrive $0xFFFF  }
0x59: {  	_ =	shalt  }

</sc_bundles>
